<compile_context>
chip_gen: v7x
topology: tpu7x:2x2x1
jax: 0.10.2.dev20260603
libtpu: 0.0.44.dev20260713+nightly
codegen_flags: <defaults>
</compile_context>

<pallas_src>
import jax
import jax.numpy as jnp
from jax import lax
from jax.experimental import pallas as pl
from jax.experimental.pallas import tpu as pltpu
from jax.experimental.pallas import tpu_sc as plsc

MAXP = 2048
SEQ = 2048
D = 64
T = 2 * MAXP + 1
SCALE = D ** (-0.5)

NC, NS = 2, 16
NW = NC * NS
NBJ = 2
NBI = NW // NBJ
BI = SEQ // NBI
BJ = SEQ // NBJ
W = BI + BJ - 1
WE = W * D
RE = BJ * D
NBUF = 4


def _scale_body(t_ref, o_ref):
    o_ref[...] = t_ref[...] * SCALE


def _scale_table(tab):
    return pl.pallas_call(
        _scale_body,
        out_shape=jax.ShapeDtypeStruct((T, D), jnp.float32),
    )(tab)


def _sc_body(tab_hbm, out_hbm, win, s0, s1, s2, s3):
    sems = (s0, s1, s2, s3)
    c = lax.axis_index("c")
    s = lax.axis_index("s")
    wid = s * NC + c
    bi = wid // NBJ
    bj = wid - bi * NBJ
    i0 = bi * BI
    j0 = bj * BJ
    lo = MAXP + j0 - i0 - (BI - 1)
    pltpu.sync_copy(tab_hbm.at[pl.ds(lo * D, WE)], win)

    def cbody(t, carry):
        handles = []
        for b in range(NBUF):
            r = t * NBUF + b
            src = win.at[pl.ds((BI - 1 - r) * D, RE)]
            dst = out_hbm.at[pl.ds(((i0 + r) * SEQ + j0) * D, RE)]
            handles.append(pltpu.async_copy(src, dst, sems[b]))
        for h in handles:
            h.wait()
        return carry

    lax.fori_loop(0, BI // NBUF, cbody, 0)


def _materialize(flat_tab):
    mesh = plsc.VectorSubcoreMesh(
        core_axis_name="c", subcore_axis_name="s",
        num_cores=NC, num_subcores=NS,
    )
    f = pl.kernel(
        _sc_body,
        out_type=jax.ShapeDtypeStruct((SEQ * SEQ * D,), jnp.float32),
        mesh=mesh,
        scratch_types=[
            pltpu.VMEM((WE,), jnp.float32),
            pltpu.SemaphoreType.DMA,
            pltpu.SemaphoreType.DMA,
            pltpu.SemaphoreType.DMA,
            pltpu.SemaphoreType.DMA,
        ],
    )
    return f(flat_tab)


@jax.jit
def kernel(x, rel_pos_emb):
    del x
    scaled = _scale_table(rel_pos_emb)
    out = _materialize(scaled.reshape(-1))
    return out.reshape(SEQ, SEQ, D)

# --- scband reference (transcript-rebuilt; emitter-appended) ---
"""Pipeline reference for scband-relative-positional-embedding-66297115181572 (READ-ONLY COPY).

The authoritative reference and input builder live on the scoring server;
editing this copy changes nothing except your own understanding.
"""

import jax, jax.numpy as jnp
import numpy as np

MAX_POSITIONS = 2048
DIM_HEAD = 64
SCALE = DIM_HEAD ** (-0.5)


def setup_inputs(seed: int = 0) -> dict:
    key = jax.random.key(seed)
    k1, k2 = jax.random.split(key)
    x = jax.random.normal(k1, (2, 2048, 1024), dtype=jnp.float32)
    rel_pos_emb = jax.random.normal(k2, (2 * MAX_POSITIONS + 1, DIM_HEAD), dtype=jnp.float32) * 0.02
    return {"x": x, "rel_pos_emb": rel_pos_emb}


def reference(x, rel_pos_emb):
    seq_len = x.shape[1]
    if seq_len > MAX_POSITIONS:
        x = x[:, :MAX_POSITIONS, :]
        seq_len = MAX_POSITIONS
    pos = jnp.arange(seq_len)
    # relative position index matrix in [0, 2*max_positions]
    rel_idx = pos[None, :] - pos[:, None] + MAX_POSITIONS
    # embedding lookup (gather) over the relative position table
    emb = jnp.take(rel_pos_emb, rel_idx, axis=0)  # [seq, seq, dim_head]
    return emb * SCALE

if __name__ == "__main__":
    import jax
    _d = setup_inputs()
    print(jax.jit(kernel)(*tuple(_d.values())))

</pallas_src>

<mosaic_0001>
#map = affine_map<(d0, d1) -> (0)>
module attributes {stable_mosaic.version = 14 : i64} {
  func.func @_sc_body(%arg0: i32, %arg1: i32, %arg2: memref<262208xf32, #tpu.memory_space<hbm>>, %arg3: memref<268435456xf32, #tpu.memory_space<hbm>>, %arg4: memref<73664xf32, #tpu.memory_space<vmem>>, %arg5: memref<!tpu.dma_semaphore, #tpu.memory_space<semaphore_mem>>, %arg6: memref<!tpu.dma_semaphore, #tpu.memory_space<semaphore_mem>>, %arg7: memref<!tpu.dma_semaphore, #tpu.memory_space<semaphore_mem>>, %arg8: memref<!tpu.dma_semaphore, #tpu.memory_space<semaphore_mem>>) attributes {dimension_semantics = [#tpu.dimension_semantics<core_parallel>, #tpu.dimension_semantics<subcore_parallel>], iteration_bounds = array<i64: 2, 16>, scalar_prefetch = 0 : i64, scratch_operands = 5 : i64, tpu.core_type = #tpu.core_type<sc_vector_subcore>, window_params = [{transform_indices = #map}, {transform_indices = #map}]} {
    %mul3A = arith.constant 2 : i32
    %mul3A_0 = arith.muli %arg1, %mul3A : i32
    %add3A = arith.addi %mul3A_0, %arg0 : i32
    %jit3A = arith.constant 2 : i32
    %div3A = arith.divsi %add3A, %jit3A : i32
    %sign3A = arith.constant 0 : i32
    %sign3A_1 = arith.cmpi sgt, %add3A, %sign3A : i32
    %sign3A_2 = arith.extui %sign3A_1 : i1 to i32
    %sign3A_3 = arith.constant 0 : i32
    %sign3A_4 = arith.cmpi slt, %add3A, %sign3A_3 : i32
    %sign3A_5 = arith.extui %sign3A_4 : i1 to i32
    %sign3A_6 = arith.subi %sign3A_2, %sign3A_5 : i32
    %sign3A_7 = arith.constant 0 : i32
    %sign3A_8 = arith.cmpi sgt, %jit3A, %sign3A_7 : i32
    %sign3A_9 = arith.extui %sign3A_8 : i1 to i32
    %sign3A_10 = arith.constant 0 : i32
    %sign3A_11 = arith.cmpi slt, %jit3A, %sign3A_10 : i32
    %sign3A_12 = arith.extui %sign3A_11 : i1 to i32
    %sign3A_13 = arith.subi %sign3A_9, %sign3A_12 : i32
    %ne3A = arith.cmpi ne, %sign3A_6, %sign3A_13 : i32
    %rem3A = arith.remsi %add3A, %jit3A : i32
    %ne3A_14 = arith.constant 0 : i32
    %ne3A_15 = arith.cmpi ne, %rem3A, %ne3A_14 : i32
    %and3A = arith.andi %ne3A, %ne3A_15 : i1
    %sub3A = arith.constant 1 : i32
    %sub3A_16 = arith.subi %div3A, %sub3A : i32
    %select_n3A = arith.select %and3A, %sub3A_16, %div3A : i32
    %mul3A_17 = arith.constant 2 : i32
    %mul3A_18 = arith.muli %select_n3A, %mul3A_17 : i32
    %sub3A_19 = arith.subi %add3A, %mul3A_18 : i32
    %mul3A_20 = arith.constant 128 : i32
    %mul3A_21 = arith.muli %select_n3A, %mul3A_20 : i32
    %mul3A_22 = arith.constant 1024 : i32
    %mul3A_23 = arith.muli %sub3A_19, %mul3A_22 : i32
    %add3A_24 = arith.constant 2048 : i32
    %add3A_25 = arith.addi %add3A_24, %mul3A_23 : i32
    %sub3A_26 = arith.subi %add3A_25, %mul3A_21 : i32
    %sub3A_27 = arith.constant 127 : i32
    %sub3A_28 = arith.subi %sub3A_26, %sub3A_27 : i32
    %mul3A_29 = arith.constant 64 : i32
    %mul3A_30 = arith.muli %sub3A_28, %mul3A_29 : i32
    "tpu.region"() ({
      %run_scoped3A = tpu.sem_alloc : memref<!tpu.dma_semaphore, #tpu.memory_space<semaphore_mem>>
      %dma_start3A = tpu.memref_slice %arg2[%mul3A_30] : memref<262208xf32, #tpu.memory_space<hbm>> -> memref<73664xf32, #tpu.memory_space<hbm>>
      %dma_start3A_36 = tpu.memref_slice %arg2[%mul3A_30] : memref<262208xf32, #tpu.memory_space<hbm>> -> memref<73664xf32, #tpu.memory_space<hbm>>
      tpu.enqueue_dma source(%dma_start3A_36 : memref<73664xf32, #tpu.memory_space<hbm>>) target(%arg4 : memref<73664xf32, #tpu.memory_space<vmem>>) target_semaphore(%run_scoped3A : memref<!tpu.dma_semaphore, #tpu.memory_space<semaphore_mem>>)
      %dma_wait3A = tpu.memref_slice %arg2[%mul3A_30] : memref<262208xf32, #tpu.memory_space<hbm>> -> memref<73664xf32, #tpu.memory_space<hbm>>
      %dma_wait3A_37 = tpu.memref_slice %arg2[%mul3A_30] : memref<262208xf32, #tpu.memory_space<hbm>> -> memref<73664xf32, #tpu.memory_space<hbm>>
      tpu.wait_dma2 semaphore(%run_scoped3A : memref<!tpu.dma_semaphore, #tpu.memory_space<semaphore_mem>>) src(%dma_wait3A_37 : memref<73664xf32, #tpu.memory_space<hbm>>) dst(%arg4 : memref<73664xf32, #tpu.memory_space<vmem>>)
      tpu.yield
    }) : () -> ()
    %scan3A = arith.constant 0 : i32
    %scan3A_31 = arith.constant 0 : i32
    %scan3A_32 = arith.constant 32 : i32
    %scan3A_33 = arith.addi %scan3A_31, %scan3A_32 : i32
    %scan3A_34 = arith.constant 1 : i32
    scf.for %scan3A_36 = %scan3A_31 to %scan3A_33 step %scan3A_34  : i32 {
      %mul3A_37 = arith.constant 4 : i32
      %mul3A_38 = arith.muli %scan3A_36, %mul3A_37 : i32
      %add3A_39 = arith.constant 0 : i32
      %add3A_40 = arith.addi %mul3A_38, %add3A_39 : i32
      %sub3A_41 = arith.constant 127 : i32
      %sub3A_42 = arith.subi %sub3A_41, %add3A_40 : i32
      %mul3A_43 = arith.constant 64 : i32
      %mul3A_44 = arith.muli %sub3A_42, %mul3A_43 : i32
      %add3A_45 = arith.addi %mul3A_21, %add3A_40 : i32
      %mul3A_46 = arith.constant 2048 : i32
      %mul3A_47 = arith.muli %add3A_45, %mul3A_46 : i32
      %add3A_48 = arith.addi %mul3A_47, %mul3A_23 : i32
      %mul3A_49 = arith.constant 64 : i32
      %mul3A_50 = arith.muli %add3A_48, %mul3A_49 : i32
      %dma_start3A = tpu.memref_slice %arg4[%mul3A_44] : memref<73664xf32, #tpu.memory_space<vmem>> -> memref<65536xf32, #tpu.memory_space<vmem>>
      %dma_start3A_51 = tpu.memref_slice %arg3[%mul3A_50] : memref<268435456xf32, #tpu.memory_space<hbm>> -> memref<65536xf32, #tpu.memory_space<hbm>>
      %dma_start3A_52 = tpu.memref_slice %arg3[%mul3A_50] : memref<268435456xf32, #tpu.memory_space<hbm>> -> memref<65536xf32, #tpu.memory_space<hbm>>
      %dma_start3A_53 = tpu.memref_slice %arg4[%mul3A_44] : memref<73664xf32, #tpu.memory_space<vmem>> -> memref<65536xf32, #tpu.memory_space<vmem>>
      tpu.enqueue_dma source(%dma_start3A_53 : memref<65536xf32, #tpu.memory_space<vmem>>) target(%dma_start3A_52 : memref<65536xf32, #tpu.memory_space<hbm>>) target_semaphore(%arg5 : memref<!tpu.dma_semaphore, #tpu.memory_space<semaphore_mem>>)
      %mul3A_54 = arith.constant 4 : i32
      %mul3A_55 = arith.muli %scan3A_36, %mul3A_54 : i32
      %add3A_56 = arith.constant 1 : i32
      %add3A_57 = arith.addi %mul3A_55, %add3A_56 : i32
      %sub3A_58 = arith.constant 127 : i32
      %sub3A_59 = arith.subi %sub3A_58, %add3A_57 : i32
      %mul3A_60 = arith.constant 64 : i32
      %mul3A_61 = arith.muli %sub3A_59, %mul3A_60 : i32
      %add3A_62 = arith.addi %mul3A_21, %add3A_57 : i32
      %mul3A_63 = arith.constant 2048 : i32
      %mul3A_64 = arith.muli %add3A_62, %mul3A_63 : i32
      %add3A_65 = arith.addi %mul3A_64, %mul3A_23 : i32
      %mul3A_66 = arith.constant 64 : i32
      %mul3A_67 = arith.muli %add3A_65, %mul3A_66 : i32
      %dma_start3A_68 = tpu.memref_slice %arg4[%mul3A_61] : memref<73664xf32, #tpu.memory_space<vmem>> -> memref<65536xf32, #tpu.memory_space<vmem>>
      %dma_start3A_69 = tpu.memref_slice %arg3[%mul3A_67] : memref<268435456xf32, #tpu.memory_space<hbm>> -> memref<65536xf32, #tpu.memory_space<hbm>>
      %dma_start3A_70 = tpu.memref_slice %arg3[%mul3A_67] : memref<268435456xf32, #tpu.memory_space<hbm>> -> memref<65536xf32, #tpu.memory_space<hbm>>
      %dma_start3A_71 = tpu.memref_slice %arg4[%mul3A_61] : memref<73664xf32, #tpu.memory_space<vmem>> -> memref<65536xf32, #tpu.memory_space<vmem>>
      tpu.enqueue_dma source(%dma_start3A_71 : memref<65536xf32, #tpu.memory_space<vmem>>) target(%dma_start3A_70 : memref<65536xf32, #tpu.memory_space<hbm>>) target_semaphore(%arg6 : memref<!tpu.dma_semaphore, #tpu.memory_space<semaphore_mem>>)
      %mul3A_72 = arith.constant 4 : i32
      %mul3A_73 = arith.muli %scan3A_36, %mul3A_72 : i32
      %add3A_74 = arith.constant 2 : i32
      %add3A_75 = arith.addi %mul3A_73, %add3A_74 : i32
      %sub3A_76 = arith.constant 127 : i32
      %sub3A_77 = arith.subi %sub3A_76, %add3A_75 : i32
      %mul3A_78 = arith.constant 64 : i32
      %mul3A_79 = arith.muli %sub3A_77, %mul3A_78 : i32
      %add3A_80 = arith.addi %mul3A_21, %add3A_75 : i32
      %mul3A_81 = arith.constant 2048 : i32
      %mul3A_82 = arith.muli %add3A_80, %mul3A_81 : i32
      %add3A_83 = arith.addi %mul3A_82, %mul3A_23 : i32
      %mul3A_84 = arith.constant 64 : i32
      %mul3A_85 = arith.muli %add3A_83, %mul3A_84 : i32
      %dma_start3A_86 = tpu.memref_slice %arg4[%mul3A_79] : memref<73664xf32, #tpu.memory_space<vmem>> -> memref<65536xf32, #tpu.memory_space<vmem>>
      %dma_start3A_87 = tpu.memref_slice %arg3[%mul3A_85] : memref<268435456xf32, #tpu.memory_space<hbm>> -> memref<65536xf32, #tpu.memory_space<hbm>>
      %dma_start3A_88 = tpu.memref_slice %arg3[%mul3A_85] : memref<268435456xf32, #tpu.memory_space<hbm>> -> memref<65536xf32, #tpu.memory_space<hbm>>
      %dma_start3A_89 = tpu.memref_slice %arg4[%mul3A_79] : memref<73664xf32, #tpu.memory_space<vmem>> -> memref<65536xf32, #tpu.memory_space<vmem>>
      tpu.enqueue_dma source(%dma_start3A_89 : memref<65536xf32, #tpu.memory_space<vmem>>) target(%dma_start3A_88 : memref<65536xf32, #tpu.memory_space<hbm>>) target_semaphore(%arg7 : memref<!tpu.dma_semaphore, #tpu.memory_space<semaphore_mem>>)
      %mul3A_90 = arith.constant 4 : i32
      %mul3A_91 = arith.muli %scan3A_36, %mul3A_90 : i32
      %add3A_92 = arith.constant 3 : i32
      %add3A_93 = arith.addi %mul3A_91, %add3A_92 : i32
      %sub3A_94 = arith.constant 127 : i32
      %sub3A_95 = arith.subi %sub3A_94, %add3A_93 : i32
      %mul3A_96 = arith.constant 64 : i32
      %mul3A_97 = arith.muli %sub3A_95, %mul3A_96 : i32
      %add3A_98 = arith.addi %mul3A_21, %add3A_93 : i32
      %mul3A_99 = arith.constant 2048 : i32
      %mul3A_100 = arith.muli %add3A_98, %mul3A_99 : i32
      %add3A_101 = arith.addi %mul3A_100, %mul3A_23 : i32
      %mul3A_102 = arith.constant 64 : i32
      %mul3A_103 = arith.muli %add3A_101, %mul3A_102 : i32
      %dma_start3A_104 = tpu.memref_slice %arg4[%mul3A_97] : memref<73664xf32, #tpu.memory_space<vmem>> -> memref<65536xf32, #tpu.memory_space<vmem>>
      %dma_start3A_105 = tpu.memref_slice %arg3[%mul3A_103] : memref<268435456xf32, #tpu.memory_space<hbm>> -> memref<65536xf32, #tpu.memory_space<hbm>>
      %dma_start3A_106 = tpu.memref_slice %arg3[%mul3A_103] : memref<268435456xf32, #tpu.memory_space<hbm>> -> memref<65536xf32, #tpu.memory_space<hbm>>
      %dma_start3A_107 = tpu.memref_slice %arg4[%mul3A_97] : memref<73664xf32, #tpu.memory_space<vmem>> -> memref<65536xf32, #tpu.memory_space<vmem>>
      tpu.enqueue_dma source(%dma_start3A_107 : memref<65536xf32, #tpu.memory_space<vmem>>) target(%dma_start3A_106 : memref<65536xf32, #tpu.memory_space<hbm>>) target_semaphore(%arg8 : memref<!tpu.dma_semaphore, #tpu.memory_space<semaphore_mem>>)
      %dma_wait3A = tpu.memref_slice %arg4[%mul3A_44] : memref<73664xf32, #tpu.memory_space<vmem>> -> memref<65536xf32, #tpu.memory_space<vmem>>
      %dma_wait3A_108 = tpu.memref_slice %arg3[%mul3A_50] : memref<268435456xf32, #tpu.memory_space<hbm>> -> memref<65536xf32, #tpu.memory_space<hbm>>
      %dma_wait3A_109 = tpu.memref_slice %arg3[%mul3A_50] : memref<268435456xf32, #tpu.memory_space<hbm>> -> memref<65536xf32, #tpu.memory_space<hbm>>
      %dma_wait3A_110 = tpu.memref_slice %arg4[%mul3A_44] : memref<73664xf32, #tpu.memory_space<vmem>> -> memref<65536xf32, #tpu.memory_space<vmem>>
      tpu.wait_dma2 semaphore(%arg5 : memref<!tpu.dma_semaphore, #tpu.memory_space<semaphore_mem>>) src(%dma_wait3A_110 : memref<65536xf32, #tpu.memory_space<vmem>>) dst(%dma_wait3A_109 : memref<65536xf32, #tpu.memory_space<hbm>>)
      %dma_wait3A_111 = tpu.memref_slice %arg4[%mul3A_61] : memref<73664xf32, #tpu.memory_space<vmem>> -> memref<65536xf32, #tpu.memory_space<vmem>>
      %dma_wait3A_112 = tpu.memref_slice %arg3[%mul3A_67] : memref<268435456xf32, #tpu.memory_space<hbm>> -> memref<65536xf32, #tpu.memory_space<hbm>>
      %dma_wait3A_113 = tpu.memref_slice %arg3[%mul3A_67] : memref<268435456xf32, #tpu.memory_space<hbm>> -> memref<65536xf32, #tpu.memory_space<hbm>>
      %dma_wait3A_114 = tpu.memref_slice %arg4[%mul3A_61] : memref<73664xf32, #tpu.memory_space<vmem>> -> memref<65536xf32, #tpu.memory_space<vmem>>
      tpu.wait_dma2 semaphore(%arg6 : memref<!tpu.dma_semaphore, #tpu.memory_space<semaphore_mem>>) src(%dma_wait3A_114 : memref<65536xf32, #tpu.memory_space<vmem>>) dst(%dma_wait3A_113 : memref<65536xf32, #tpu.memory_space<hbm>>)
      %dma_wait3A_115 = tpu.memref_slice %arg4[%mul3A_79] : memref<73664xf32, #tpu.memory_space<vmem>> -> memref<65536xf32, #tpu.memory_space<vmem>>
      %dma_wait3A_116 = tpu.memref_slice %arg3[%mul3A_85] : memref<268435456xf32, #tpu.memory_space<hbm>> -> memref<65536xf32, #tpu.memory_space<hbm>>
      %dma_wait3A_117 = tpu.memref_slice %arg3[%mul3A_85] : memref<268435456xf32, #tpu.memory_space<hbm>> -> memref<65536xf32, #tpu.memory_space<hbm>>
      %dma_wait3A_118 = tpu.memref_slice %arg4[%mul3A_79] : memref<73664xf32, #tpu.memory_space<vmem>> -> memref<65536xf32, #tpu.memory_space<vmem>>
      tpu.wait_dma2 semaphore(%arg7 : memref<!tpu.dma_semaphore, #tpu.memory_space<semaphore_mem>>) src(%dma_wait3A_118 : memref<65536xf32, #tpu.memory_space<vmem>>) dst(%dma_wait3A_117 : memref<65536xf32, #tpu.memory_space<hbm>>)
      %dma_wait3A_119 = tpu.memref_slice %arg4[%mul3A_97] : memref<73664xf32, #tpu.memory_space<vmem>> -> memref<65536xf32, #tpu.memory_space<vmem>>
      %dma_wait3A_120 = tpu.memref_slice %arg3[%mul3A_103] : memref<268435456xf32, #tpu.memory_space<hbm>> -> memref<65536xf32, #tpu.memory_space<hbm>>
      %dma_wait3A_121 = tpu.memref_slice %arg3[%mul3A_103] : memref<268435456xf32, #tpu.memory_space<hbm>> -> memref<65536xf32, #tpu.memory_space<hbm>>
      %dma_wait3A_122 = tpu.memref_slice %arg4[%mul3A_97] : memref<73664xf32, #tpu.memory_space<vmem>> -> memref<65536xf32, #tpu.memory_space<vmem>>
      tpu.wait_dma2 semaphore(%arg8 : memref<!tpu.dma_semaphore, #tpu.memory_space<semaphore_mem>>) src(%dma_wait3A_122 : memref<65536xf32, #tpu.memory_space<vmem>>) dst(%dma_wait3A_121 : memref<65536xf32, #tpu.memory_space<hbm>>)
    }
    %scan3A_35 = arith.constant 32 : i32
    return
  }
}

module attributes {stable_mosaic.version = 14 : i64} {
  func.func @_scale_body(%arg0: memref<4097x64xf32, #tpu.memory_space<vmem>>, %arg1: memref<4097x64xf32, #tpu.memory_space<vmem>>) attributes {dimension_semantics = [], scalar_prefetch = 0 : i64, scratch_operands = 0 : i64, tpu.core_type = #tpu.core_type<tc>} {
    %get3A = arith.constant 0 : index
    %get3A_0 = arith.constant 0 : index
    %get3A_1 = vector.load %arg0[%get3A, %get3A_0] : memref<4097x64xf32, #tpu.memory_space<vmem>>, vector<4097x64xf32>
    %mul3A = arith.constant 1.250000e-01 : f32
    %mul3A_2 = vector.broadcast %mul3A : f32 to vector<4097x64xf32>
    %mul3A_3 = arith.mulf %get3A_1, %mul3A_2 : vector<4097x64xf32>
    %swap3A = arith.constant 0 : index
    %swap3A_4 = arith.constant 0 : index
    %swap3A_5 = vector.load %arg1[%swap3A, %swap3A_4] : memref<4097x64xf32, #tpu.memory_space<vmem>>, vector<4097x64xf32>
    tpu.vector_store %arg1[%swap3A, %swap3A_4], %mul3A_3 {strides = array<i32>} : memref<4097x64xf32, #tpu.memory_space<vmem>>, vector<4097x64xf32>,
    return
  }
}

</mosaic_0001>

<sc_bundles>
// kernel: kernel.4.cloned.1.call-start
scs
__scs_entry_jumppad:
0x0: {  	(pc) =	sbr.rel $0x88, $3  }
0x1: {  	(tag) =	ssettag $0x0;
	lr =	simm.s32 $0x1  }
0x2: {  	[smem:$0x3FA0] =	sst lr;
	_ =	strace $0xD0000000  }
0x3: {  	_ = 	snop  }
0x4: {  	_ = 	snop  }
0x5: {  	_ = 	snop  }
0x6: {  	_ = 	snop  }
0x7: {  	_ = 	snop  }
__scs_overlays_trampoline_lowered:
0x8: {  	[smem:$0x3FAF] =	sst s0  }
0x9: {  	[smem:$0x3FB0] =	sst s1  }
0xa: {  	[smem:$0x3FB1] =	sst s2  }
0xb: {  	[smem:$0x3FB2] =	sst s3  }
0xc: {  	[smem:$0x3FB3] =	sst s4  }
0xd: {  	[smem:$0x3FB4] =	sst s5  }
0xe: {  	[smem:$0x3FB5] =	sst s6  }
0xf: {  	[smem:$0x3FB6] =	sst s7  }
0x10: {  	[smem:$0x3FB7] =	sst s8  }
0x11: {  	[smem:$0x3FB8] =	sst s9;
	s0 =	simm.s32 @!p0 $0x0  }
0x12: {  	s1 =	sld [smem:$0x3F9E];
	s0 =	simm.s32 @p0 $0x1  }
0x13: {  	[smem:$0x3FB9] =	sst s0;
	s0 =	simm.s32 @!p1 $0x0  }
0x14: {  	s2 =	sld [smem:$0x3F9D];
	s0 =	simm.s32 @p1 $0x1  }
0x15: {  	[smem:$0x3FBA] =	sst s0;
	s0 =	simm.s32 @!p2 $0x0  }
0x16: {  	s3 =	sld [smem:$0x3FDB];
	s0 =	simm.s32 @p2 $0x1  }
0x17: {  	s4 =	simm.s32 $0x1BF5;
	[smem:$0x3FBC] =	sst s0  }
0x18: {  	s0 =	sld [smem:$0x3F9F];
	_ =	swait.ge [sflag:s4], $0x0  }
0x19: {  	s7 =	sld [smem:$0x3FA0]  }
0x1a: {  	s8 =	sadd.s32 $0xFFFFE003, lr  }
0x1b: {  	s9 =	sadd.s32 $0xFFFFFEF7, lr;
	s5 =	simm.s32 $0xFFFFFFFF;
	p2 =	slt.u32 s8, $0xFFFFF086  }
0x1c: {  	p1 =	slt.u32 s9, $0xF7A;
	s5 =	simm.s32 @!p2 $0x0  }
0x1d: {  	s5 =	simm.s32 @p1 $0x1;
	p0 =	seq.s32 s7, s2  }
0x1e: {  	s7 =	smul.u32 @!p0 $0xF7A, s2;
	p2 =	seq.s32 @!p0 s5, $0x0  }
0x1f: {  	s9 =	smul.u32 $0xF7A, s1;
	s8 =	simm.s32 @!p0 $0x1BF5;
	p2 =	por !p2, p0  }
0x20: {  	[sflag:s8] =	ssyncset.s32 @!p0 $0xFFFFF086;
	s6 =	sadd.s32 @!p0 s3, s7;
	s7 =	simm.s32 @!p0 $0x108  }
0x21: {  	s3 =	sadd.s32 s3, s9;
	s6 =	sadd.s32 @!p0 $0x88, s6;
	s7 =	simm.s32 @p2 $0x1082  }
0x22: {  	[simem:s7], [sflag:s8] =	dma.local @!p0 [hbm:s6], $0xF7A  }
0x23: {  	s9 =	sor.u32 $0xD0000000, s2;
	s6 =	simm.s32 $0x108;
	_ =	swait.ge @!p0 [sflag:s8], $0x0  }
0x24: {  	s3 =	sadd.s32 $0x88, s3;
	s6 =	simm.s32 @!p1 $0x1082;
	[sflag:s4] =	ssyncset.s32 $0xFFFFF086  }
0x25: {  	[simem:s6], [sflag:s4] =	dma.local [hbm:s3], $0xF7A  }
0x26: {  	[smem:$0x3FA0] =	sst s1;
	(tag) =	ssettag s2;
	_ =	strace s9  }
0x27: {  	s1 =	sld [smem:$0x3FB0]  }
0x28: {  	s2 =	sld [smem:$0x3FB1]  }
0x29: {  	s4 =	sld [smem:$0x3FB3]  }
0x2a: {  	p0 =	seq.s32 s5, $0x0;
	s5 =	sld [smem:$0x3FB4]  }
0x2b: {  	s6 =	sld [smem:$0x3FB5]  }
0x2c: {  	s7 =	sld [smem:$0x3FB6]  }
0x2d: {  	s3 =	simm.s32 $0x108;
	s8 =	sld [smem:$0x3FB7]  }
0x2e: {  	s3 =	simm.s32 @!p0 $0x1082;
	s9 =	sld [smem:$0x3FB8]  }
0x2f: {  	lr =	sadd.s32 s0, s3;
	s0 =	sld [smem:$0x3FAF]  }
0x30: {  	s3 =	sld [smem:$0x3FB2]  }
0x31: {  	[smem:$0x3FBB] =	sst s10  }
0x32: {  	s10 =	sld [smem:$0x3FB9];
	_ =	sdelay $0x3  }
0x33: {  	p0 =	seq.s32 s10, $0x1;
	s10 =	sld [smem:$0x3FBB];
	_ =	sdelay $0x3  }
0x34: {  	[smem:$0x3FBB] =	sst s10  }
0x35: {  	s10 =	sld [smem:$0x3FBA];
	_ =	sdelay $0x3  }
0x36: {  	p1 =	seq.s32 s10, $0x1;
	s10 =	sld [smem:$0x3FBB];
	_ =	sdelay $0x3  }
0x37: {  	[smem:$0x3FBB] =	sst s10  }
0x38: {  	s10 =	sld [smem:$0x3FBC]  }
0x39: {  	_ = 	snop;
	(pc) =	sbr.ind lr, $3  }
0x3a: {  	_ = 	snop  }
0x3b: {  	_ = 	snop  }
0x3c: {  	p2 =	seq.s32 s10, $0x1;
	s10 =	sld [smem:$0x3FBB]  }
0x3d: {  	_ =	shalt  }
0x3e: {  	_ =	shalt  }
0x3f: {  	_ =	shalt  }
0x40: {  	_ =	shalt  }
0x41: {  	_ =	shalt  }
0x42: {  	_ =	shalt  }
0x43: {  	_ =	shalt  }
0x44: {  	_ =	shalt  }
0x45: {  	_ =	shalt  }
0x46: {  	_ =	shalt  }
0x47: {  	_ =	shalt  }
0x48: {  	_ =	shalt  }
0x49: {  	_ =	shalt  }
0x4a: {  	_ =	shalt  }
0x4b: {  	_ =	shalt  }
0x4c: {  	_ =	shalt  }
0x4d: {  	_ =	shalt  }
0x4e: {  	_ =	shalt  }
0x4f: {  	_ =	shalt  }
0x50: {  	_ =	shalt  }
0x51: {  	_ =	shalt  }
0x52: {  	_ =	shalt  }
0x53: {  	_ =	shalt  }
0x54: {  	_ =	shalt  }
0x55: {  	_ =	shalt  }
0x56: {  	_ =	shalt  }
0x57: {  	_ =	shalt  }
0x58: {  	_ =	shalt  }
0x59: {  	_ =	shalt  }
0x5a: {  	_ =	shalt  }
0x5b: {  	_ =	shalt  }
0x5c: {  	_ =	shalt  }
0x5d: {  	_ =	shalt  }
0x5e: {  	_ =	shalt  }
0x5f: {  	_ =	shalt  }
0x60: {  	_ =	shalt  }
0x61: {  	_ =	shalt  }
0x62: {  	_ =	shalt  }
0x63: {  	_ =	shalt  }
0x64: {  	_ =	shalt  }
0x65: {  	_ =	shalt  }
0x66: {  	_ =	shalt  }
0x67: {  	_ =	shalt  }
0x68: {  	_ =	shalt  }
0x69: {  	_ =	shalt  }
0x6a: {  	_ =	shalt  }
0x6b: {  	_ =	shalt  }
0x6c: {  	_ =	shalt  }
0x6d: {  	_ =	shalt  }
0x6e: {  	_ =	shalt  }
0x6f: {  	_ =	shalt  }
0x70: {  	_ =	shalt  }
0x71: {  	_ =	shalt  }
0x72: {  	_ =	shalt  }
0x73: {  	_ =	shalt  }
0x74: {  	_ =	shalt  }
0x75: {  	_ =	shalt  }
0x76: {  	_ =	shalt  }
0x77: {  	_ =	shalt  }
0x78: {  	_ =	shalt  }
0x79: {  	_ =	shalt  }
0x7a: {  	_ =	shalt  }
0x7b: {  	_ =	shalt  }
0x7c: {  	_ =	shalt  }
0x7d: {  	_ =	shalt  }
0x7e: {  	_ =	shalt  }
0x7f: {  	_ =	shalt  }
0x80: {  	_ =	shalt  }
0x81: {  	_ =	shalt  }
0x82: {  	_ =	shalt  }
0x83: {  	_ =	shalt  }
0x84: {  	_ =	shalt  }
0x85: {  	_ =	shalt  }
0x86: {  	_ =	shalt  }
0x87: {  	_ =	shalt  }
.Lfunc_end0:
.L_simem_size_0:
called_computation.1_lowered:
.L_overlay_start_0:
0x88: {  	s2 =	sld [smem:$0x3FD9]  }
0x89: {  	s3 =	sld [smem:$0x3FFE];
	_ =	sdelay $0x1  }
0x8a: {  	s1 =	srdreg.scid  }
0x8b: {  	s0 =	sand.u32 $0x1, s1  }
0x8c: {  	s17 =	sshll.u32 s0, $0xA;
	s2 =	sadd.s32 s3, s2  }
0x8d: {  	s2 =	sadd.s32 s2, s17  }
0x8e: {  	[smem:$0x3FC7] =	sst s2  }
0x8f: {  	_ = 	snop  }
0x90: {  	s2 =	sld [smem:$0x3FD0];
	(tm) =	ssettm $0x1  }
0x91: {  	s18 =	sld [smem:$0x3FFB];
	_ =	sdelay $0x3  }
0x92: {  	_ =	strace s18  }
0x93: {  	s3 =	sld [smem:$0x3FFC];
	_ =	sdelay $0x3  }
0x94: {  	_ =	strace s3  }
0x95: {  	s3 =	sld [smem:$0x3FFD];
	_ =	sdelay $0x3  }
0x96: {  	_ =	strace s3  }
0x97: {  	_ =	strace $0x8FFFFFFF  }
0x98: {  	s19 =	sld [smem:$0x3FDB];
	_ =	sdelay $0x1  }
0x99: {  	s4 =	simm.s32 $_scs_section_size  }
0x9a: {  	s5 =	simm.s32 $_size__tile_overlayer_lowered;
	s6 =	simm.s32 $_tile_overlayer_lowered  }
0x9b: {  	s22 =	simm.s32 $0x1BFF;
	s21 =	sshll.u32 s6, $0x1;
	s3 =	sadd.s32 s4, s19  }
0x9c: {  	s7 =	simm.s32 $0x0;
	s20 =	sshll.u32 s5, $0x1;
	s5 =	sadd.s32 s21, s3  }
0x9d: {  	[timem:s7], [sflag:s22] =	dma.local [hbm:s5], s20  }
0x9e: {  	_ =	swait.ge [sflag:s22], s20  }
0x9f: {  	s4 =	ssub.s32 $0x0, s20;
	[sflag:s22] =	ssyncset.done $0x0  }
0xa0: {  	[sflag:s22] =	ssyncadd.s32 s4;
	_ =	sdelay $0x1  }
0xa1: {  	s23 =	simm.s32 $0x1B8B  }
0xa2: {  	_ =	swait.ge [sflag:s23], $0x1  }
0xa3: {  	[sflag:s23] =	ssyncset.done $0x0  }
0xa4: {  	s25 =	simm.s32 $0x1B8E;
	s24 =	sld [smem:$0x3FFE];
	[sflag:s23] =	ssyncadd.s32 $0xFFFFFFFF  }
0xa5: {  	s26 =	simm.s32 $execute0_lowered;
	[smem:$0x3FD2] =	sst s25  }
0xa6: {  	s5 =	sshll.u32 s26, $0x1;
	_ =	strace $0x80000046;
	[dreg:$0x1] =	wrdreg $0xFFFFFFFF  }
0xa7: {  	s28 =	simm.s32 $_size_execute0_lowered;
	s3 =	sadd.s32 s3, s5;
	[dreg:$0x0] =	wrdreg $0x0  }
0xa8: {  	s5 =	sshll.u32 s28, $0x1;
	[dreg:$0x2] =	wrdreg s3  }
0xa9: {  	[dreg:$0x3] =	wrdreg s5  }
0xaa: {  	[dreg:$0x4] =	wrdreg $0xC0  }
0xab: {  	_ =	task [dreg:s7], $0x5FFFF  }
0xac: {  	[dreg:$0x1] =	wrdreg $0xFFFFFFFF  }
0xad: {  	[dreg:$0x0] =	wrdreg $0x60  }
0xae: {  	[dreg:$0x2] =	wrdreg s24  }
0xaf: {  	[dreg:$0x3] =	wrdreg s2  }
0xb0: {  	[dreg:$0x4] =	wrdreg $0x9  }
0xb1: {  	_ =	task.clear_ibuf [dreg:s7], $0x5FFFF;
	_ =	strace $0x90000046  }
0xb2: {  	s29 =	simm.s32 $0x9;
	_ =	strace $0x80000048  }
0xb3: {  	_ =	swait.ge [sflag:s29], $0x1  }
0xb4: {  	[sflag:s29] =	ssyncadd.s32 $0xFFFFFFFF  }
0xb5: {  	_ =	strace $0x90000048  }
0xb6: {  	_ =	sfence  }
0xb7: {  	s30 =	sld [smem:$0x0];
	_ =	sdelay $0x2  }
0xb8: {  	s31 =	sshll.u32 s1, $0xD;
	s1 =	sshrl.u32 s1, $0x2  }
0xb9: {  	s3 =	sand.u32 $0x4000, s31;
	s1 =	sadd.s32 s1, s30  }
0xba: {  	s0 =	sor.u32 s3, s0;
	s1 =	sshll.u32 s1, $0x11  }
0xbb: {  	s0 =	sor.u32 s1, s0  }
0xbc: {  	s0 =	sadd.s32 $0x8F2B, s0  }
0xbd: {  	[sflag:s0] =	ssyncadd.remote.s32 $0x1  }
0xbe: {  	_ =	sfence.sel $0xFFFF  }
0xbf: {  	[dreg:$0x0] =	wrdreg $0xFFFFFFFF;
	(pc) =	sbr.abs _section_cstart, $3  }
0xc0: {  	[dreg:$0x1] =	wrdreg $0xFFFFFFFF  }
0xc1: {  	_ =	task.clear_ibuf [dreg:s7], $0x2FFFF;
	_ =	strace $0x9FFFFFFF  }
0xc2: {  	(tm) =	ssettm $0x7FFFFFFF  }
0xc3: {  	_ =	shalt  }
tec
execute0_lowered:
.L_overlay_start_1:
0x0: {  	(tag) =	ssettag $0x1  }
0x1: {  	s1 =	srdreg.scid;
	s0 =	stileid.u32  }
0x2: {  	s7 =	sand.u32 $0x1, s1;
	s29 =	sshll.u32 s0, $0x1  }
0x3: {  	s3 =	sor.u32 s7, s29  }
0x4: {  	p1 =	seq.s32 s7, $0x1;
	p0 =	seq.s32 s3, $0x0  }
0x5: {  	s5 =	rddreg [dreg:$0x0];
	p0 =	por !p0, !p1  }
0x6: {  	s2 =	rddreg [dreg:$0x1];
	s1 =	simm.s32 $0x1;
	p0 =	por !p0, !p0  }
0x7: {  	s10 =	simm.s32 $0x3;
	s11 =	simm.s32 $0x4;
	s1 =	simm.s32 @!p0 $0x0  }
0x8: {  	s12 =	simm.s32 $0x0;
	s31 =	sshll.u32 s0, $0x18;
	s4 =	ssub.s32 s0, s1  }
0x9: {  	s9 =	ssub.s32 $0x2, s7;
	s8 =	sshll.u32 s3, $0xA;
	s6 =	sshll.u32 s4, $0xB  }
0xa: {  	s7 =	sshll.u32 s7, $0x10;
	s4 =	sshll.u32 s4, $0x7;
	s6 =	ssub.s32 s8, s6  }
0xb: {  	s3 =	simm.s32 $0x0;
	s8 =	simm.s32 $0xFFFFFFFF;
	s4 =	ssub.s32 s6, s4  }
0xc: {  	s30 =	sshrl.u32 s9, $0x1;
	s8 =	simm.s32 @!p0 $0x0;
	s6 =	sshll.u32 s4, $0x6  }
0xd: {  	[smem:$0x7FF] =	sst s3;
	s8 =	smul.u32 $0xFE0000, s8;
	s6 =	sadd.s32 $0x1E040, s6  }
0xe: {  	s1 =	rddreg [dreg:$0x2];
	_ =	strace $0x80000047;
	s6 =	sshrl.u32 s6, $0x3  }
0xf: {  	s4 =	simm.s32 $0x1;
	s8 =	sadd.s32 s8, s31;
	s5 =	sadd.s32 s6, s5  }
0x10: {  	s6 =	ssub.s32 s9, s30;
	s7 =	sor.u32 s7, s8;
	s8 =	simm.s32 $0x5  }
0x11: {  	s9 =	simm.s32 $0x2;
	s5 =	sadd.s32 $0x800, s5;
	s6 =	smax.u32 s6, $0x1  }
.LBB2_1:
0x12: {  	[tilespmem:s3], [sflag:$0x5] =	stream.linear.gather [hbm4b:s5+s3], $0x11FC0, $0x38;
	[tilespmem:$0x12000] =	vst v63  }
0x13: {  	s13 =	sshrl.u32 s7, $0x3  }
0x14: {  	s14 =	sadd.s32 $0x20000, s7;
	s15 =	sadd.s32 $0x60000, s7;
	_ =	swait.ge [sflag:s8], $0x11FC0  }
0x15: {  	s16 =	simm.s32 $0x1FC0;
	s17 =	sadd.s32 $0x40000, s7;
	[sflag:s8] =	ssyncset.done $0x0  }
0x16: {  	s13 =	sadd.s32 s2, s13;
	s14 =	sshrl.u32 s14, $0x3;
	[sflag:s8] =	ssyncadd.s32 $0xFFFEE040  }
0x17: {  	[hbm4b:s13+s3] =	stream.linear.scatter [tilespmem:s16], [sflag:$0x1], $0x10000, $0x38;
	[tilespmem:$0x12000] =	vst v63  }
0x18: {  	s28 =	simm.s32 $0x1F80;
	s26 =	sshrl.u32 s17, $0x3;
	s14 =	sadd.s32 s2, s14  }
0x19: {  	[hbm4b:s14+s3] =	stream.linear.scatter [tilespmem:s28], [sflag:$0x2], $0x10000, $0x38;
	[tilespmem:$0x12000] =	vst v63  }
0x1a: {  	s29 =	simm.s32 $0x1F40;
	s15 =	sshrl.u32 s15, $0x3;
	s13 =	sadd.s32 s2, s26  }
0x1b: {  	[hbm4b:s13+s3] =	stream.linear.scatter [tilespmem:s29], [sflag:$0x3], $0x10000, $0x38;
	[tilespmem:$0x12000] =	vst v63  }
0x1c: {  	s31 =	simm.s32 $0x1F00;
	s30 =	sadd.s32 s2, s15  }
0x1d: {  	[hbm4b:s30+s3] =	stream.linear.scatter [tilespmem:s31], [sflag:$0x4], $0x10000, $0x38;
	[tilespmem:$0x12000] =	vst v63  }
0x1e: {  	_ =	swait.ge [sflag:s4], $0x10000  }
0x1f: {  	[sflag:s4] =	ssyncset.done $0x0  }
0x20: {  	[sflag:s4] =	ssyncadd.s32 $0xFFFF0000  }
0x21: {  	_ =	swait.ge [sflag:s9], $0x10000  }
0x22: {  	[sflag:s9] =	ssyncset.done $0x0  }
0x23: {  	s15 =	simm.s32 $0xFFFFFF00;
	s13 =	sadd.s32 $0x80000, s7;
	[sflag:s9] =	ssyncadd.s32 $0xFFFF0000  }
0x24: {  	s14 =	simm.s32 $0xFFFFF800;
	s17 =	sadd.s32 $0x20000, s13;
	_ =	swait.ge [sflag:s10], $0x10000  }
0x25: {  	s16 =	sadd.s32 $0x60000, s13;
	s18 =	sshrl.u32 s13, $0x3;
	[sflag:s10] =	ssyncset.done $0x0  }
.LBB2_2:
0x26: {  	s18 =	sadd.s32 s2, s18  }
0x27: {  	s19 =	sadd.s32 $0x1FC0, s15;
	[sflag:s10] =	ssyncadd.s32 $0xFFFF0000;
	s20 =	smov.u32 s14  }
0x28: {  	s17 =	sshrl.u32 s17, $0x3;
	s21 =	sadd.s32 $0x40000, s13;
	_ =	swait.ge [sflag:s11], $0x10000  }
0x29: {  	s22 =	sadd.s32 $0x1F40, s15;
	s21 =	sshrl.u32 s21, $0x3;
	[sflag:s11] =	ssyncset.done $0x0  }
0x2a: {  	p0 =	sne.s32 s14, $0xFFFF8400;
	s14 =	sadd.s32 $0xFFFFFC00, s14;
	[sflag:s11] =	ssyncadd.s32 $0xFFFF0000  }
0x2b: {  	[hbm4b:s18+s3] =	stream.linear.scatter [tilespmem:s19], [sflag:$0x1], $0x10000, $0x38;
	[tilespmem:$0x12000] =	vst v63  }
0x2c: {  	s16 =	sshrl.u32 s16, $0x3;
	s17 =	sadd.s32 s2, s17;
	s18 =	sadd.s32 $0x1F80, s15  }
0x2d: {  	[hbm4b:s17+s3] =	stream.linear.scatter [tilespmem:s18], [sflag:$0x2], $0x10000, $0x38;
	[tilespmem:$0x12000] =	vst v63  }
0x2e: {  	s16 =	sadd.s32 s2, s16;
	s15 =	sadd.s32 $0x1F00, s15;
	s17 =	sadd.s32 s2, s21  }
0x2f: {  	[hbm4b:s17+s3] =	stream.linear.scatter [tilespmem:s22], [sflag:$0x3], $0x10000, $0x38;
	[tilespmem:$0x12000] =	vst v63  }
0x30: {  	_ = 	snop  }
0x31: {  	[hbm4b:s16+s3] =	stream.linear.scatter [tilespmem:s15], [sflag:$0x4], $0x10000, $0x38;
	[tilespmem:$0x12000] =	vst v63  }
0x32: {  	_ =	swait.ge [sflag:s4], $0x10000  }
0x33: {  	[sflag:s4] =	ssyncset.done $0x0  }
0x34: {  	[sflag:s4] =	ssyncadd.s32 $0xFFFF0000  }
.Ltmp0:
0x35: {  	_ =	swait.ge [sflag:s9], $0x10000;
	(pc) =	sbr.rel @p0 .LBB2_2-.Ltmp0, $4  }
0x36: {  	[sflag:s9] =	ssyncset.done $0x0  }
0x37: {  	s13 =	sadd.s32 $0x80000, s13;
	[sflag:s9] =	ssyncadd.s32 $0xFFFF0000  }
0x38: {  	s17 =	sadd.s32 $0x20000, s13;
	s16 =	sadd.s32 $0x60000, s13;
	_ =	swait.ge [sflag:s10], $0x10000  }
0x39: {  	s18 =	sshrl.u32 s13, $0x3;
	s15 =	sshra.s32 s20, $0x2;
	[sflag:s10] =	ssyncset.done $0x0  }
0x3a: {  	[sflag:s10] =	ssyncadd.s32 $0xFFFF0000  }
0x3b: {  	_ =	swait.ge [sflag:s11], $0x10000  }
0x3c: {  	s14 =	sadd.s32 s2, s18;
	s25 =	sadd.s32 $0x1FC0, s15;
	[sflag:s11] =	ssyncset.done $0x0  }
0x3d: {  	s17 =	sshrl.u32 s17, $0x3;
	s13 =	sadd.s32 $0x40000, s13;
	[sflag:s11] =	ssyncadd.s32 $0xFFFF0000  }
0x3e: {  	[hbm4b:s14+s3] =	stream.linear.scatter [tilespmem:s25], [sflag:$0x1], $0x10000, $0x38;
	[tilespmem:$0x12000] =	vst v63  }
0x3f: {  	s28 =	sadd.s32 $0x1F80, s15;
	s13 =	sshrl.u32 s13, $0x3;
	s26 =	sadd.s32 s2, s17  }
0x40: {  	[hbm4b:s26+s3] =	stream.linear.scatter [tilespmem:s28], [sflag:$0x2], $0x10000, $0x38;
	[tilespmem:$0x12000] =	vst v63  }
0x41: {  	s29 =	sadd.s32 $0x1F40, s15;
	s16 =	sshrl.u32 s16, $0x3;
	s13 =	sadd.s32 s2, s13  }
0x42: {  	[hbm4b:s13+s3] =	stream.linear.scatter [tilespmem:s29], [sflag:$0x3], $0x10000, $0x38;
	[tilespmem:$0x12000] =	vst v63  }
0x43: {  	s31 =	sadd.s32 $0x1F00, s15;
	s30 =	sadd.s32 s2, s16  }
0x44: {  	[hbm4b:s30+s3] =	stream.linear.scatter [tilespmem:s31], [sflag:$0x4], $0x10000, $0x38;
	[tilespmem:$0x12000] =	vst v63  }
0x45: {  	_ =	swait.ge [sflag:s4], $0x10000  }
0x46: {  	[sflag:s4] =	ssyncset.done $0x0  }
0x47: {  	[sflag:s4] =	ssyncadd.s32 $0xFFFF0000  }
0x48: {  	_ =	swait.ge [sflag:s9], $0x10000  }
0x49: {  	[sflag:s9] =	ssyncset.done $0x0  }
0x4a: {  	s12 =	sadd.s32 $0x1, s12;
	[sflag:s9] =	ssyncadd.s32 $0xFFFF0000  }
0x4b: {  	p0 =	sne.s32 s12, s6;
	_ =	swait.ge [sflag:s10], $0x10000  }
.Ltmp1:
0x4c: {  	[sflag:s10] =	ssyncset.done $0x0;
	(pc) =	sbr.rel @p0 .LBB2_1-.Ltmp1, $4  }
0x4d: {  	[sflag:s10] =	ssyncadd.s32 $0xFFFF0000  }
0x4e: {  	_ =	swait.ge [sflag:s11], $0x10000  }
0x4f: {  	[sflag:s11] =	ssyncset.done $0x0  }
0x50: {  	[sflag:s11] =	ssyncadd.s32 $0xFFFF0000  }
0x51: {  	_ =	sfence.sel $0x180000  }
0x52: {  	[bflag:$0x0] =	sbarrier.arrive $0xFFFF  }
0x53: {  	p0 =	sne.s32 s0, $0x0;
	_ =	strace $0x90000047  }
0x54: {  	s0 =	sadd.s32 @!p0 $0x100000, s1;
	[bflag:$0x2] =	sbarrier.arrive $0xFFFF  }
0x55: {  	[sflag:s0] =	ssyncadd.tile.s32 @!p0 $0x1;
	_ =	shalt  }
.Lfunc_end2:
_tile_overlayer_lowered:
.L_overlay_start_2:
0x56: {  	(tag) =	ssettag $0x2  }
0x57: {  	s0 =	rddreg [dreg:$0x0];
	s2 =	stileid.u32  }
0x58: {  	s1 =	rddreg [dreg:$0x1];
	p0 =	sne.s32 s2, $0x0  }
0x59: {  	s3 =	rddreg [dreg:$0x2];
	[bflag:$0x3] =	sbarrier.arrive $0xFFFF;
	s2 =	simm.s32 @!p0 $0x1C05  }
0x5a: {  	[timem:s3], [sflag:s2] =	dma.local @!p0 [hbm:s0], s1  }
0x5b: {  	s0 =	simm.s32 @!p0 $0x5  }
0x5c: {  	_ =	swait.ge @!p0 [sflag:s0], s1  }
0x5d: {  	s1 =	ssub.s32 @!p0 $0x0, s1;
	[sflag:s0] =	ssyncset.done @!p0 $0x0  }
0x5e: {  	[sflag:s0] =	ssyncadd.s32 @!p0 s1  }
0x5f: {  	[bflag:$0x3] =	sbarrier.arrive $0xFFFF  }
0x60: {  	_ =	shalt  }

// kernel: sparse-core-data-format-call.cloned.1.call-start
scs
called_computation_lowered:
.L_overlay_start_0:
0x0: {  	s2 =	sld [smem:$0x3FD9]  }
0x1: {  	s3 =	sld [smem:$0x3FFE];
	_ =	sdelay $0x1  }
0x2: {  	s1 =	srdreg.scid  }
0x3: {  	s0 =	sand.u32 $0x1, s1  }
0x4: {  	s18 =	sshll.u32 s0, $0xA;
	s2 =	sadd.s32 s3, s2  }
0x5: {  	s2 =	sadd.s32 s2, s18  }
0x6: {  	[smem:$0x3FC7] =	sst s2  }
0x7: {  	_ = 	snop  }
0x8: {  	s2 =	sld [smem:$0x3FD0];
	(tm) =	ssettm $0x1  }
0x9: {  	s19 =	sld [smem:$0x3FFB];
	_ =	sdelay $0x3  }
0xa: {  	_ =	strace s19  }
0xb: {  	s3 =	sld [smem:$0x3FFC];
	_ =	sdelay $0x3  }
0xc: {  	_ =	strace s3  }
0xd: {  	s3 =	sld [smem:$0x3FFD];
	_ =	sdelay $0x3  }
0xe: {  	_ =	strace s3  }
0xf: {  	_ =	strace $0x8FFFFFFF  }
0x10: {  	s20 =	sld [smem:$0x3FDB];
	_ =	sdelay $0x1  }
0x11: {  	s4 =	simm.s32 $_scs_section_size  }
0x12: {  	s5 =	simm.s32 $_size__tile_overlayer_lowered;
	s6 =	simm.s32 $_tile_overlayer_lowered  }
0x13: {  	s23 =	simm.s32 $0x1BFF;
	s22 =	sshll.u32 s6, $0x1;
	s3 =	sadd.s32 s4, s20  }
0x14: {  	s7 =	simm.s32 $0x0;
	s21 =	sshll.u32 s5, $0x1;
	s5 =	sadd.s32 s22, s3  }
0x15: {  	[timem:s7], [sflag:s23] =	dma.local [hbm:s5], s21  }
0x16: {  	_ =	swait.ge [sflag:s23], s21  }
0x17: {  	s4 =	ssub.s32 $0x0, s21;
	[sflag:s23] =	ssyncset.done $0x0  }
0x18: {  	[sflag:s23] =	ssyncadd.s32 s4;
	_ =	sdelay $0x1  }
0x19: {  	s24 =	simm.s32 $0x1B8B  }
0x1a: {  	_ =	swait.ge [sflag:s24], $0x1  }
0x1b: {  	[sflag:s24] =	ssyncset.done $0x0  }
0x1c: {  	s26 =	simm.s32 $0x1B8E;
	s25 =	sld [smem:$0x3FFE];
	[sflag:s24] =	ssyncadd.s32 $0xFFFFFFFF  }
0x1d: {  	s27 =	simm.s32 $execute0_lowered;
	[smem:$0x3FD2] =	sst s26  }
0x1e: {  	s5 =	sshll.u32 s27, $0x1;
	_ =	strace $0x80000049;
	[dreg:$0x1] =	wrdreg $0xFFFFFFFF  }
0x1f: {  	s28 =	simm.s32 $_size_execute0_lowered;
	s3 =	sadd.s32 s3, s5;
	[dreg:$0x0] =	wrdreg $0x0  }
0x20: {  	s5 =	sshll.u32 s28, $0x1;
	[dreg:$0x2] =	wrdreg s3  }
0x21: {  	[dreg:$0x3] =	wrdreg s5  }
0x22: {  	[dreg:$0x4] =	wrdreg $0xC0  }
0x23: {  	_ =	task [dreg:s7], $0x5FFFF  }
0x24: {  	[dreg:$0x1] =	wrdreg $0xFFFFFFFF  }
0x25: {  	[dreg:$0x0] =	wrdreg $0x60  }
0x26: {  	[dreg:$0x2] =	wrdreg s25  }
0x27: {  	[dreg:$0x3] =	wrdreg s2  }
0x28: {  	[dreg:$0x4] =	wrdreg $0x9  }
0x29: {  	_ =	task.clear_ibuf [dreg:s7], $0x5FFFF;
	_ =	strace $0x90000049  }
0x2a: {  	s29 =	simm.s32 $0x9;
	_ =	strace $0x8000004B  }
0x2b: {  	_ =	swait.ge [sflag:s29], $0x1  }
0x2c: {  	[sflag:s29] =	ssyncadd.s32 $0xFFFFFFFF  }
0x2d: {  	_ =	strace $0x9000004B  }
0x2e: {  	_ =	sfence  }
0x2f: {  	s30 =	sld [smem:$0x0];
	_ =	sdelay $0x2  }
0x30: {  	s31 =	sshll.u32 s1, $0xD;
	s1 =	sshrl.u32 s1, $0x2  }
0x31: {  	s3 =	sand.u32 $0x4000, s31;
	s1 =	sadd.s32 s1, s30  }
0x32: {  	s0 =	sor.u32 s3, s0;
	s1 =	sshll.u32 s1, $0x11  }
0x33: {  	s0 =	sor.u32 s1, s0  }
0x34: {  	s0 =	sadd.s32 $0x8F2B, s0  }
0x35: {  	[sflag:s0] =	ssyncadd.remote.s32 $0x1  }
0x36: {  	_ =	sfence.sel $0xFFFF  }
0x37: {  	[dreg:$0x0] =	wrdreg $0xFFFFFFFF;
	(pc) =	sbr.abs _section_cstart, $3  }
0x38: {  	[dreg:$0x1] =	wrdreg $0xFFFFFFFF  }
0x39: {  	_ =	task.clear_ibuf [dreg:s7], $0x2FFFF;
	_ =	strace $0x9FFFFFFF  }
0x3a: {  	(tm) =	ssettm $0x7FFFFFFF  }
0x3b: {  	_ =	shalt  }
tec
execute0_lowered:
.L_overlay_start_1:
0x0: {  	(tag) =	ssettag $0x1  }
0x1: {  	s0 =	srdreg.scid  }
0x2: {  	s7 =	rddreg [dreg:$0x0];
	s1 =	sshll.u32 s0, $0x4  }
0x3: {  	s3 =	rddreg [dreg:$0x1];
	s0 =	stileid.u32;
	s1 =	sand.u32 $0x10, s1  }
0x4: {  	s6 =	simm.s32 $0x1;
	s31 =	simm.s32 $0x2;
	s1 =	sor.u32 s0, s1  }
0x5: {  	s13 =	simm.s32 $0x0;
	s9 =	simm.s32 $0x4000;
	s2 =	sshll.u32 s1, $0x1  }
0x6: {  	s14 =	simm.s32 $0x0;
	s10 =	simm.s32 $0x0;
	s4 =	ssub.s32 $0x800, s2  }
0x7: {  	s12 =	simm.s32 $0x0;
	s1 =	rddreg [dreg:$0x2];
	s5 =	sand.u32 $0x3E, s4  }
.Ltmp0:
0x8: {  	_ =	strace $0x8000004A;
	p0 =	sne.s32 s5, $0x0;
	(pc) =	sbr.rel .LBB1_1-.Ltmp0, $4  }
0x9: {  	s11 =	smov.u32 s2;
	s8 =	sshrl.u32 s4, $0x6;
	s6 =	simm.s32 @!p0 $0x0  }
0xa: {  	s4 =	sadd.s32 $0x800, s7;
	s5 =	simm.s32 $0x1;
	s6 =	sadd.s32 s6, s8  }
0xb: {  	s7 =	sadd.s32 $0x8800, s7;
	[sflag:s5] =	ssyncpa.u1 $0x0;
	s6 =	sshll.u32 s6, $0x4  }
0xc: {  	p0 =	por $0x0, $0x0;
	[sflag:s31] =	ssyncpa.u1 $0x0;
	s8 =	sor.u32 $0x1, s6  }
.LBB1_7:
0xd: {  	s15 =	sadd.s32 $0x80, s10  }
0xe: {  	s13 =	sadd.s32 $0x40, s11;
	s17 =	smov.u32 s11;
	p2 =	sgt.s32 s15, $0x7FF  }
0xf: {  	s17 =	smov.u32 @p2 s13  }
0x10: {  	s15 =	simm.s32 @p2 $0x0;
	p2 =	sgt.s32 s17, $0x7FF  }
0x11: {  	s17 =	smov.u32 @p2 s2;
	p2 =	sne.s32 s12, s8  }
.Ltmp1:
0x12: {  	p1 =	slt.u32 s12, $0x2;
	(pc) =	sbr.rel @!p2 .LBB1_8-.Ltmp1, $4  }
0x13: {  	s16 =	simm.s32 @!p1 $0x2  }
0x14: {  	s14 =	smov.u32 s11;
	p0 =	por !p0, !p0;
	_ =	swait.ge @!p1 [sflag:s16], $0x4000  }
0x15: {  	s13 =	smov.u32 s10;
	[sflag:s16] =	ssyncset.done @!p1 $0x0;
	s10 =	smov.u32 s15  }
0x16: {  	s12 =	sadd.s32 $0x1, s12;
	[sflag:s16] =	ssyncadd.s32 @!p1 $0xFFFFC000;
	s11 =	smov.u32 s17  }
.LBB1_1:
0x17: {  	p1 =	sge.u32 s12, s6  }
0x18: {  	s15 =	sxor.u32 @!p1 $0xFFFFFFFF, s12;
	s16 =	sshll.u32 @!p1 s11, $0xF  }
0x19: {  	s17 =	sshll.u32 @!p1 s10, $0x4;
	s19 =	simm.s32 @!p1 $0x40;
	s20 =	simm.s32 @!p1 $0x80  }
0x1a: {  	s15 =	sshll.u32 @!p1 s15, $0xE;
	s17 =	sand.u32 @!p1 $0x7FF0, s17;
	s18 =	sadd.s32 @!p1 s4, s16  }
0x1b: {  	s16 =	sadd.s32 @!p1 s16, s7;
	s15 =	sand.u32 @!p1 $0x4000, s15;
	s18 =	sadd.s32 @!p1 s17, s18  }
0x1c: {  	[tilespmem:s15], [sflag:$0x1] =	stream.strided.gather @!p1 [hbm4b:s18+s19], $0x2000, s20, s19, $0x38;
	[tilespmem:$0x10100] =	vst v63  }
0x1d: {  	s31 =	sadd.s32 $0xFFFFFFFF, s12;
	s16 =	sadd.s32 @!p1 s17, s16;
	s15 =	sor.u32 @!p1 $0x2000, s15  }
0x1e: {  	[tilespmem:s15], [sflag:$0x1] =	stream.strided.gather @!p1 [hbm4b:s16+s19], $0x2000, s20, s19, $0x38;
	[tilespmem:$0x10100] =	vst v63  }
0x1f: {  	p1 =	sge.u32 s31, s6  }
.Ltmp2:
0x20: {  	_ = 	snop;
	(pc) =	sbr.rel @p1 .LBB1_7-.Ltmp2, $1  }
0x21: {  	_ =	sdelay $0x3  }
0x22: {  	s15 =	simm.s32 $0x1;
	s17 =	sand.u32 $0x1, s12  }
0x23: {  	_ =	swait.ge [sflag:s5], $0x4000;
	s15 =	simm.s32 @!p0 $0x0;
	s17 =	smul.u32 $0x10200, s17  }
0x24: {  	p2 =	por $0x1, $0x1;
	[sflag:s5] =	ssyncset.done $0x0;
	s16 =	smul.u32 $0x10200, s15  }
0x25: {  	s18 =	sshll.u32 s15, $0x10;
	[sflag:s5] =	ssyncadd.s32 $0xFFFFC000;
	s30 =	sshrl.u32 s17, $0x2  }
0x26: {  	s31 =	sshrl.u32 s18, $0x2;
	s18 =	simm.s32 $0x0;
	s16 =	sshrl.u32 s16, $0x2  }
0x27: {  	s15 =	sor.u32 $0x8000, s30;
	s17 =	sadd.s32 $0x20, s31;
	s16 =	sor.u32 $0x8000, s16  }
.LBB1_3:
0x28: {  	s19 =	sshll.u32 s18, $0xD  }
0x29: {  	s19 =	sand.u32 $0x3FFFE000, s19  }
0x2a: {  	s21 =	sadd.s32 s19, s17  }
0x2b: {  	s31 =	smul.u32 $0x8100, s18;
	v3 =	vld [tilespmem:s21+$0x10]  }
0x2c: {  	v1 =	vld [tilespmem:s21+$0xFFFFFFF0]  }
0x2d: {  	s18 =	sshra.s32 s31, $0x2;
	v0 =	vld [tilespmem:s21+$0x0]  }
0x2e: {  	s18 =	sadd.s32 s18, s16;
	v2 =	vld [tilespmem:s21+$0xFFFFFFE0]  }
0x2f: {  	s19 =	sadd.s32 $0x0, s18  }
0x30: {  	p1 =	por p2, p2;
	s20 =	simm.s32 $0x4;
	s21 =	sadd.s32 $0x40, s21;
	[tilespmem:s19+$0x1830 ss:$0x81] =	vst.msk $0xffff, v3  }
.LBB1_4:
0x31: {  	v3 =	vld [tilespmem:s21+$0x10];
	p2 =	sne.s32 s20, $0x1FC;
	[tilespmem:s19+$0x810 ss:$0x81] =	vst.msk $0xffff, v1;
	s22 =	smov.u32 s20;
	s20 =	sadd.s32 $0x4, s20  }
.Ltmp3:
0x32: {  	v1 =	vld [tilespmem:s21+$0xFFFFFFF0];
	[tilespmem:s19+$0x1020 ss:$0x81] =	vst.msk $0xffff, v0;
	(pc) =	sbr.rel @p2 .LBB1_4-.Ltmp3, $4  }
0x33: {  	v0 =	vld [tilespmem:s21+$0x0];
	[tilespmem:s19+$0x0 ss:$0x81] =	vst.msk $0xffff, v2  }
0x34: {  	s19 =	sshra.s32 s22, $0x2;
	v2 =	vld [tilespmem:s21+$0xFFFFFFE0]  }
0x35: {  	s19 =	sadd.s32 s19, s18  }
0x36: {  	s21 =	sadd.s32 $0x40, s21;
	[tilespmem:s19+$0x1830 ss:$0x81] =	vst.msk $0xffff, v3  }
.Ltmp4:
0x37: {  	(pc) =	sbr.rel @p1 .LBB1_3-.Ltmp4, $4  }
0x38: {  	_ = 	snop  }
0x39: {  	[tilespmem:s19+$0x810 ss:$0x81] =	vst.msk $0xffff, v1  }
0x3a: {  	[tilespmem:s19+$0x1020 ss:$0x81] =	vst.msk $0xffff, v0  }
0x3b: {  	s18 =	simm.s32 $0x1;
	p2 =	por $0x0, $0x0;
	[tilespmem:s19+$0x0 ss:$0x81] =	vst.msk $0xffff, v2  }
0x3c: {  	s16 =	sshll.u32 s13, $0x3;
	s17 =	sand.u32 $0x78, s13;
	s14 =	sshll.u32 s14, $0xE  }
.Ltmp5:
0x3d: {  	s30 =	sand.u32 $0x3F00, s13;
	s16 =	sand.u32 $0x400, s16;
	(pc) =	sbr.rel .LBB1_7-.Ltmp5, $4  }
0x3e: {  	s31 =	sand.u32 $0x7, s13;
	s14 =	sadd.s32 s3, s14;
	s16 =	sor.u32 s17, s16  }
0x3f: {  	s13 =	sshll.u32 s31, $0x12;
	s14 =	sadd.s32 s30, s14;
	s16 =	sshrl.u32 s16, $0x3  }
0x40: {  	s13 =	sor.u32 $0x400, s13;
	s14 =	sadd.s32 s16, s14  }
0x41: {  	[hbm4b:s14+s13] =	stream.strided.scatter [tilespmem:s15], [sflag:$0x2], $0x4000, s9, s13, $0x20;
	[tilespmem:$0x10100] =	vst v63  }
.LBB1_8:
0x42: {  	_ =	sfence.sel $0x180000  }
0x43: {  	s2 =	simm.s32 $0x1;
	[bflag:$0x0] =	sbarrier.arrive $0xFFFF  }
0x44: {  	s31 =	simm.s32 $0x2;
	[sflag:s2] =	ssyncpa.u1 $0x1  }
0x45: {  	[sflag:s31] =	ssyncpa.u1 $0x1  }
0x46: {  	p0 =	sne.s32 s0, $0x0;
	_ =	strace $0x9000004A  }
0x47: {  	s0 =	sadd.s32 @!p0 $0x100000, s1;
	[bflag:$0x2] =	sbarrier.arrive $0xFFFF  }
0x48: {  	[sflag:s0] =	ssyncadd.tile.s32 @!p0 $0x1;
	_ =	shalt  }
.Lfunc_end1:
_tile_overlayer_lowered:
.L_overlay_start_2:
0x49: {  	(tag) =	ssettag $0x2  }
0x4a: {  	s0 =	rddreg [dreg:$0x0];
	s2 =	stileid.u32  }
0x4b: {  	s1 =	rddreg [dreg:$0x1];
	p0 =	sne.s32 s2, $0x0  }
0x4c: {  	s3 =	rddreg [dreg:$0x2];
	[bflag:$0x3] =	sbarrier.arrive $0xFFFF;
	s2 =	simm.s32 @!p0 $0x1C01  }
0x4d: {  	[timem:s3], [sflag:s2] =	dma.local @!p0 [hbm:s0], s1  }
0x4e: {  	s0 =	simm.s32 @!p0 $0x1  }
0x4f: {  	_ =	swait.ge @!p0 [sflag:s0], s1  }
0x50: {  	s1 =	ssub.s32 @!p0 $0x0, s1;
	[sflag:s0] =	ssyncset.done @!p0 $0x0  }
0x51: {  	[sflag:s0] =	ssyncadd.s32 @!p0 s1  }
0x52: {  	[bflag:$0x3] =	sbarrier.arrive $0xFFFF  }
0x53: {  	_ =	shalt  }

</sc_bundles>
